<compile_context>
chip_gen: v7x
topology: tpu7x:2x2x1
jax: 0.10.2.dev20260603
libtpu: 0.0.44.dev20260713+nightly
codegen_flags: <defaults>
</compile_context>

<pallas_src>
import functools

import jax
import jax.numpy as jnp
from jax import lax
from jax.experimental import pallas as pl
from jax.experimental.pallas import tpu as pltpu
from jax.experimental.pallas import tpu_sc as plsc

C, H, W = 192, 512, 512
R = C * H
NC, NS = 2, 16
NW = NC * NS
RW = R // NW
CHUNK = 64
NCHUNK = RW // CHUNK
NBUF = 3
NGRP = NCHUNK // NBUF

_mesh = plsc.VectorSubcoreMesh(core_axis_name="c", subcore_axis_name="s")


@functools.partial(
    pl.kernel,
    out_type=jax.ShapeDtypeStruct((R, W), jnp.float32),
    mesh=_mesh,
    scratch_types=[
        pltpu.VMEM((NCHUNK, CHUNK), jnp.int32),
        [pltpu.VMEM((CHUNK, W), jnp.float32)] * NBUF,
        [pltpu.SemaphoreType.DMA] * NBUF,
        [pltpu.SemaphoreType.DMA] * NBUF,
    ],
)
def _permute_rows(img_hbm, idx_hbm, out_hbm, idx_v, bufs, isems, osems):
    wid = lax.axis_index("s") * NC + lax.axis_index("c")
    pltpu.sync_copy(idx_hbm.at[wid], idx_v)
    base = wid * RW

    def start_in(k, b):
        pltpu.make_async_copy(img_hbm.at[idx_v.at[k]], bufs[b], isems[b]).start()

    def wait_in(b):
        pltpu.make_async_copy(img_hbm.at[idx_v.at[0]], bufs[b], isems[b]).wait()

    def start_out(k, b):
        dst = out_hbm.at[pl.ds(base + k * CHUNK, CHUNK), :]
        pltpu.make_async_copy(bufs[b], dst, osems[b]).start()

    def wait_out(b):
        dst = out_hbm.at[pl.ds(base, CHUNK), :]
        pltpu.make_async_copy(bufs[b], dst, osems[b]).wait()

    start_in(0, 0)
    start_in(1, 1)

    def body(g, carry):
        for b in range(NBUF):
            k = g * NBUF + b
            b2 = (b + 2) % NBUF
            wait_in(b)
            start_out(k, b)
            pl.when(k >= 1)(lambda: wait_out(b2))
            pl.when(k + 2 < NCHUNK)(lambda: start_in(k + 2, b2))
        return carry

    lax.fori_loop(0, NGRP, body, 0)
    wait_out((NCHUNK - 1) % NBUF)


def kernel(img):
    perm = jax.random.permutation(jax.random.key(42), C)
    row_idx = (perm[:, None] * H + jnp.arange(H)[None, :]).astype(jnp.int32)
    idx = row_idx.reshape(NW, NCHUNK, CHUNK)
    out2 = _permute_rows(img.reshape(R, W), idx)
    return out2.reshape(C, H, W)

# --- scband reference (transcript-rebuilt; emitter-appended) ---
"""Pipeline reference for scband-random-channel-rearrangement-41884521070875 (READ-ONLY COPY).

The authoritative reference and input builder live on the scoring server;
editing this copy changes nothing except your own understanding.
"""

import jax, jax.numpy as jnp
import numpy as np


def setup_inputs(seed: int = 0) -> dict:
    key = jax.random.key(seed)
    img = jax.random.normal(key, (192, 512, 512), dtype=jnp.float32)
    return {"img": img}


def reference(img):
    # Original module splits img into single-channel slices along dim 0,
    # randomly shuffles them, and concatenates back. This is equivalent to
    # gathering channels by a random permutation. We use a fixed PRNG key for
    # determinism (the torch version uses python's random module).
    C = img.shape[0]
    perm = jax.random.permutation(jax.random.key(42), C)
    out = jnp.take(img, perm, axis=0)
    return out

if __name__ == "__main__":
    import jax
    _d = setup_inputs()
    print(jax.jit(kernel)(*tuple(_d.values())))

</pallas_src>

<mosaic_0001>
#map = affine_map<(d0, d1) -> (0, 0)>
#map1 = affine_map<(d0, d1) -> (0, 0, 0)>
module attributes {stable_mosaic.version = 14 : i64} {
  func.func @_permute_rows(%arg0: i32, %arg1: i32, %arg2: memref<98304x512xf32, #tpu.memory_space<hbm>>, %arg3: memref<32x48x64xi32, #tpu.memory_space<hbm>>, %arg4: memref<98304x512xf32, #tpu.memory_space<hbm>>, %arg5: memref<48x64xi32, #tpu.memory_space<vmem>>, %arg6: memref<64x512xf32, #tpu.memory_space<vmem>>, %arg7: memref<64x512xf32, #tpu.memory_space<vmem>>, %arg8: memref<64x512xf32, #tpu.memory_space<vmem>>, %arg9: memref<!tpu.dma_semaphore, #tpu.memory_space<semaphore_mem>>, %arg10: memref<!tpu.dma_semaphore, #tpu.memory_space<semaphore_mem>>, %arg11: memref<!tpu.dma_semaphore, #tpu.memory_space<semaphore_mem>>, %arg12: memref<!tpu.dma_semaphore, #tpu.memory_space<semaphore_mem>>, %arg13: memref<!tpu.dma_semaphore, #tpu.memory_space<semaphore_mem>>, %arg14: memref<!tpu.dma_semaphore, #tpu.memory_space<semaphore_mem>>) attributes {dimension_semantics = [#tpu.dimension_semantics<core_parallel>, #tpu.dimension_semantics<subcore_parallel>], iteration_bounds = array<i64: 2, 16>, scalar_prefetch = 0 : i64, scratch_operands = 10 : i64, tpu.core_type = #tpu.core_type<sc_vector_subcore>, window_params = [{transform_indices = #map}, {transform_indices = #map1}, {transform_indices = #map}]} {
    %mul3A = arith.constant 2 : i32
    %mul3A_0 = arith.muli %arg1, %mul3A : i32
    %add3A = arith.addi %mul3A_0, %arg0 : i32
    "tpu.region"() ({
      %run_scoped3A = tpu.sem_alloc : memref<!tpu.dma_semaphore, #tpu.memory_space<semaphore_mem>>
      %dma_start3A_24 = arith.constant 0 : i32
      %dma_start3A_25 = arith.constant 0 : i32
      %dma_start3A_26 = tpu.memref_slice %arg3[%add3A, %dma_start3A_24, %dma_start3A_25] : memref<32x48x64xi32, #tpu.memory_space<hbm>> -> memref<1x48x64xi32, #tpu.memory_space<hbm>>
      %dma_start3A_27 = tpu.memref_squeeze %dma_start3A_26 : memref<1x48x64xi32, #tpu.memory_space<hbm>> -> memref<48x64xi32, #tpu.memory_space<hbm>>
      %dma_start3A_28 = arith.constant 0 : i32
      %dma_start3A_29 = arith.constant 0 : i32
      %dma_start3A_30 = tpu.memref_slice %arg3[%add3A, %dma_start3A_28, %dma_start3A_29] : memref<32x48x64xi32, #tpu.memory_space<hbm>> -> memref<1x48x64xi32, #tpu.memory_space<hbm>>
      %dma_start3A_31 = tpu.memref_squeeze %dma_start3A_30 : memref<1x48x64xi32, #tpu.memory_space<hbm>> -> memref<48x64xi32, #tpu.memory_space<hbm>>
      tpu.enqueue_dma source(%dma_start3A_31 : memref<48x64xi32, #tpu.memory_space<hbm>>) target(%arg5 : memref<48x64xi32, #tpu.memory_space<vmem>>) target_semaphore(%run_scoped3A : memref<!tpu.dma_semaphore, #tpu.memory_space<semaphore_mem>>)
      %dma_wait3A_32 = arith.constant 0 : i32
      %dma_wait3A_33 = arith.constant 0 : i32
      %dma_wait3A_34 = tpu.memref_slice %arg3[%add3A, %dma_wait3A_32, %dma_wait3A_33] : memref<32x48x64xi32, #tpu.memory_space<hbm>> -> memref<1x48x64xi32, #tpu.memory_space<hbm>>
      %dma_wait3A_35 = tpu.memref_squeeze %dma_wait3A_34 : memref<1x48x64xi32, #tpu.memory_space<hbm>> -> memref<48x64xi32, #tpu.memory_space<hbm>>
      %dma_wait3A_36 = arith.constant 0 : i32
      %dma_wait3A_37 = arith.constant 0 : i32
      %dma_wait3A_38 = tpu.memref_slice %arg3[%add3A, %dma_wait3A_36, %dma_wait3A_37] : memref<32x48x64xi32, #tpu.memory_space<hbm>> -> memref<1x48x64xi32, #tpu.memory_space<hbm>>
      %dma_wait3A_39 = tpu.memref_squeeze %dma_wait3A_38 : memref<1x48x64xi32, #tpu.memory_space<hbm>> -> memref<48x64xi32, #tpu.memory_space<hbm>>
      tpu.wait_dma2 semaphore(%run_scoped3A : memref<!tpu.dma_semaphore, #tpu.memory_space<semaphore_mem>>) src(%dma_wait3A_39 : memref<48x64xi32, #tpu.memory_space<hbm>>) dst(%arg5 : memref<48x64xi32, #tpu.memory_space<vmem>>)
      tpu.yield
    }) : () -> ()
    %mul3A_1 = arith.constant 3072 : i32
    %mul3A_2 = arith.muli %add3A, %mul3A_1 : i32
    %dma_start3A = arith.constant 0 : i32
    %dma_start3A_3 = arith.constant 0 : i32
    %dma_start3A_4 = tpu.memref_slice %arg5[%dma_start3A, %dma_start3A_3] : memref<48x64xi32, #tpu.memory_space<vmem>> -> memref<1x64xi32, #tpu.memory_space<vmem>>
    %dma_start3A_5 = tpu.memref_squeeze %dma_start3A_4 : memref<1x64xi32, #tpu.memory_space<vmem>> -> memref<64xi32, #tpu.memory_space<vmem>>
    %dma_start3A_6 = arith.constant 0 : i32
    %dma_start3A_7 = arith.constant 0 : i32
    %dma_start3A_8 = tpu.memref_slice %arg2[%dma_start3A_6, %dma_start3A_7] : memref<98304x512xf32, #tpu.memory_space<hbm>> -> memref<98304x512xf32, #tpu.memory_space<hbm>>
    tpu.enqueue_indirect_dma source(%dma_start3A_8 : memref<98304x512xf32, #tpu.memory_space<hbm>>) target(%arg6 : memref<64x512xf32, #tpu.memory_space<vmem>>) offsets(%dma_start3A_5 : memref<64xi32, #tpu.memory_space<vmem>>) semaphore(%arg9 : memref<!tpu.dma_semaphore, #tpu.memory_space<semaphore_mem>>)
    %dma_start3A_9 = arith.constant 1 : i32
    %dma_start3A_10 = arith.constant 0 : i32
    %dma_start3A_11 = tpu.memref_slice %arg5[%dma_start3A_9, %dma_start3A_10] : memref<48x64xi32, #tpu.memory_space<vmem>> -> memref<1x64xi32, #tpu.memory_space<vmem>>
    %dma_start3A_12 = tpu.memref_squeeze %dma_start3A_11 : memref<1x64xi32, #tpu.memory_space<vmem>> -> memref<64xi32, #tpu.memory_space<vmem>>
    %dma_start3A_13 = arith.constant 0 : i32
    %dma_start3A_14 = arith.constant 0 : i32
    %dma_start3A_15 = tpu.memref_slice %arg2[%dma_start3A_13, %dma_start3A_14] : memref<98304x512xf32, #tpu.memory_space<hbm>> -> memref<98304x512xf32, #tpu.memory_space<hbm>>
    tpu.enqueue_indirect_dma source(%dma_start3A_15 : memref<98304x512xf32, #tpu.memory_space<hbm>>) target(%arg7 : memref<64x512xf32, #tpu.memory_space<vmem>>) offsets(%dma_start3A_12 : memref<64xi32, #tpu.memory_space<vmem>>) semaphore(%arg10 : memref<!tpu.dma_semaphore, #tpu.memory_space<semaphore_mem>>)
    %scan3A = arith.constant 0 : i32
    %scan3A_16 = arith.constant 0 : i32
    %scan3A_17 = arith.constant 16 : i32
    %scan3A_18 = arith.addi %scan3A_16, %scan3A_17 : i32
    %scan3A_19 = arith.constant 1 : i32
    scf.for %scan3A_24 = %scan3A_16 to %scan3A_18 step %scan3A_19  : i32 {
      %mul3A_25 = arith.constant 3 : i32
      %mul3A_26 = arith.muli %scan3A_24, %mul3A_25 : i32
      %add3A_27 = arith.constant 0 : i32
      %add3A_28 = arith.addi %mul3A_26, %add3A_27 : i32
      %dma_wait3A_29 = arith.constant 0 : i32
      %dma_wait3A_30 = arith.constant 0 : i32
      %dma_wait3A_31 = tpu.memref_slice %arg5[%dma_wait3A_29, %dma_wait3A_30] : memref<48x64xi32, #tpu.memory_space<vmem>> -> memref<1x64xi32, #tpu.memory_space<vmem>>
      %dma_wait3A_32 = tpu.memref_squeeze %dma_wait3A_31 : memref<1x64xi32, #tpu.memory_space<vmem>> -> memref<64xi32, #tpu.memory_space<vmem>>
      %dma_wait3A_33 = arith.constant 0 : i32
      %dma_wait3A_34 = arith.constant 0 : i32
      %dma_wait3A_35 = tpu.memref_slice %arg2[%dma_wait3A_33, %dma_wait3A_34] : memref<98304x512xf32, #tpu.memory_space<hbm>> -> memref<98304x512xf32, #tpu.memory_space<hbm>>
      tpu.wait_indirect_dma semaphore(%arg9 : memref<!tpu.dma_semaphore, #tpu.memory_space<semaphore_mem>>) src(%dma_wait3A_35 : memref<98304x512xf32, #tpu.memory_space<hbm>>) dst(%arg6 : memref<64x512xf32, #tpu.memory_space<vmem>>)
      %mul3A_36 = arith.constant 64 : i32
      %mul3A_37 = arith.muli %add3A_28, %mul3A_36 : i32
      %add3A_38 = arith.addi %mul3A_2, %mul3A_37 : i32
      %dma_start3A_39 = arith.constant 0 : i32
      %dma_start3A_40 = tpu.memref_slice %arg4[%add3A_38, %dma_start3A_39] : memref<98304x512xf32, #tpu.memory_space<hbm>> -> memref<64x512xf32, #tpu.memory_space<hbm>>
      %dma_start3A_41 = arith.constant 0 : i32
      %dma_start3A_42 = tpu.memref_slice %arg4[%add3A_38, %dma_start3A_41] : memref<98304x512xf32, #tpu.memory_space<hbm>> -> memref<64x512xf32, #tpu.memory_space<hbm>>
      tpu.enqueue_dma source(%arg6 : memref<64x512xf32, #tpu.memory_space<vmem>>) target(%dma_start3A_42 : memref<64x512xf32, #tpu.memory_space<hbm>>) target_semaphore(%arg12 : memref<!tpu.dma_semaphore, #tpu.memory_space<semaphore_mem>>)
      %ge3A = arith.constant 1 : i32
      %ge3A_43 = arith.cmpi sge, %add3A_28, %ge3A : i32
      %convert_element_type3A = arith.extui %ge3A_43 : i1 to i32
      %cond3A = arith.constant 0 : i32
      %cond3A_44 = arith.cmpi ne, %convert_element_type3A, %cond3A : i32
      scf.if %cond3A_44 {
        %dma_wait3A_111 = arith.constant 0 : i32
        %dma_wait3A_112 = tpu.memref_slice %arg4[%mul3A_2, %dma_wait3A_111] : memref<98304x512xf32, #tpu.memory_space<hbm>> -> memref<64x512xf32, #tpu.memory_space<hbm>>
        %dma_wait3A_113 = arith.constant 0 : i32
        %dma_wait3A_114 = tpu.memref_slice %arg4[%mul3A_2, %dma_wait3A_113] : memref<98304x512xf32, #tpu.memory_space<hbm>> -> memref<64x512xf32, #tpu.memory_space<hbm>>
        tpu.wait_dma2 semaphore(%arg14 : memref<!tpu.dma_semaphore, #tpu.memory_space<semaphore_mem>>) src(%arg8 : memref<64x512xf32, #tpu.memory_space<vmem>>) dst(%dma_wait3A_114 : memref<64x512xf32, #tpu.memory_space<hbm>>)
      } else {
      }
      %add3A_45 = arith.constant 2 : i32
      %add3A_46 = arith.addi %add3A_28, %add3A_45 : i32
      %lt3A = arith.constant 48 : i32
      %lt3A_47 = arith.cmpi slt, %add3A_46, %lt3A : i32
      %convert_element_type3A_48 = arith.extui %lt3A_47 : i1 to i32
      %cond3A_49 = arith.constant 0 : i32
      %cond3A_50 = arith.cmpi ne, %convert_element_type3A_48, %cond3A_49 : i32
      scf.if %cond3A_50 {
        %add3A_111 = arith.constant 2 : i32
        %add3A_112 = arith.addi %add3A_28, %add3A_111 : i32
        %dma_start3A_113 = arith.constant 0 : i32
        %dma_start3A_114 = tpu.memref_slice %arg5[%add3A_112, %dma_start3A_113] : memref<48x64xi32, #tpu.memory_space<vmem>> -> memref<1x64xi32, #tpu.memory_space<vmem>>
        %dma_start3A_115 = tpu.memref_squeeze %dma_start3A_114 : memref<1x64xi32, #tpu.memory_space<vmem>> -> memref<64xi32, #tpu.memory_space<vmem>>
        %dma_start3A_116 = arith.constant 0 : i32
        %dma_start3A_117 = arith.constant 0 : i32
        %dma_start3A_118 = tpu.memref_slice %arg2[%dma_start3A_116, %dma_start3A_117] : memref<98304x512xf32, #tpu.memory_space<hbm>> -> memref<98304x512xf32, #tpu.memory_space<hbm>>
        tpu.enqueue_indirect_dma source(%dma_start3A_118 : memref<98304x512xf32, #tpu.memory_space<hbm>>) target(%arg8 : memref<64x512xf32, #tpu.memory_space<vmem>>) offsets(%dma_start3A_115 : memref<64xi32, #tpu.memory_space<vmem>>) semaphore(%arg11 : memref<!tpu.dma_semaphore, #tpu.memory_space<semaphore_mem>>)
      } else {
      }
      %mul3A_51 = arith.constant 3 : i32
      %mul3A_52 = arith.muli %scan3A_24, %mul3A_51 : i32
      %add3A_53 = arith.constant 1 : i32
      %add3A_54 = arith.addi %mul3A_52, %add3A_53 : i32
      %dma_wait3A_55 = arith.constant 0 : i32
      %dma_wait3A_56 = arith.constant 0 : i32
      %dma_wait3A_57 = tpu.memref_slice %arg5[%dma_wait3A_55, %dma_wait3A_56] : memref<48x64xi32, #tpu.memory_space<vmem>> -> memref<1x64xi32, #tpu.memory_space<vmem>>
      %dma_wait3A_58 = tpu.memref_squeeze %dma_wait3A_57 : memref<1x64xi32, #tpu.memory_space<vmem>> -> memref<64xi32, #tpu.memory_space<vmem>>
      %dma_wait3A_59 = arith.constant 0 : i32
      %dma_wait3A_60 = arith.constant 0 : i32
      %dma_wait3A_61 = tpu.memref_slice %arg2[%dma_wait3A_59, %dma_wait3A_60] : memref<98304x512xf32, #tpu.memory_space<hbm>> -> memref<98304x512xf32, #tpu.memory_space<hbm>>
      tpu.wait_indirect_dma semaphore(%arg10 : memref<!tpu.dma_semaphore, #tpu.memory_space<semaphore_mem>>) src(%dma_wait3A_61 : memref<98304x512xf32, #tpu.memory_space<hbm>>) dst(%arg7 : memref<64x512xf32, #tpu.memory_space<vmem>>)
      %mul3A_62 = arith.constant 64 : i32
      %mul3A_63 = arith.muli %add3A_54, %mul3A_62 : i32
      %add3A_64 = arith.addi %mul3A_2, %mul3A_63 : i32
      %dma_start3A_65 = arith.constant 0 : i32
      %dma_start3A_66 = tpu.memref_slice %arg4[%add3A_64, %dma_start3A_65] : memref<98304x512xf32, #tpu.memory_space<hbm>> -> memref<64x512xf32, #tpu.memory_space<hbm>>
      %dma_start3A_67 = arith.constant 0 : i32
      %dma_start3A_68 = tpu.memref_slice %arg4[%add3A_64, %dma_start3A_67] : memref<98304x512xf32, #tpu.memory_space<hbm>> -> memref<64x512xf32, #tpu.memory_space<hbm>>
      tpu.enqueue_dma source(%arg7 : memref<64x512xf32, #tpu.memory_space<vmem>>) target(%dma_start3A_68 : memref<64x512xf32, #tpu.memory_space<hbm>>) target_semaphore(%arg13 : memref<!tpu.dma_semaphore, #tpu.memory_space<semaphore_mem>>)
      %ge3A_69 = arith.constant 1 : i32
      %ge3A_70 = arith.cmpi sge, %add3A_54, %ge3A_69 : i32
      %convert_element_type3A_71 = arith.extui %ge3A_70 : i1 to i32
      %cond3A_72 = arith.constant 0 : i32
      %cond3A_73 = arith.cmpi ne, %convert_element_type3A_71, %cond3A_72 : i32
      scf.if %cond3A_73 {
        %dma_wait3A_111 = arith.constant 0 : i32
        %dma_wait3A_112 = tpu.memref_slice %arg4[%mul3A_2, %dma_wait3A_111] : memref<98304x512xf32, #tpu.memory_space<hbm>> -> memref<64x512xf32, #tpu.memory_space<hbm>>
        %dma_wait3A_113 = arith.constant 0 : i32
        %dma_wait3A_114 = tpu.memref_slice %arg4[%mul3A_2, %dma_wait3A_113] : memref<98304x512xf32, #tpu.memory_space<hbm>> -> memref<64x512xf32, #tpu.memory_space<hbm>>
        tpu.wait_dma2 semaphore(%arg12 : memref<!tpu.dma_semaphore, #tpu.memory_space<semaphore_mem>>) src(%arg6 : memref<64x512xf32, #tpu.memory_space<vmem>>) dst(%dma_wait3A_114 : memref<64x512xf32, #tpu.memory_space<hbm>>)
      } else {
      }
      %add3A_74 = arith.constant 2 : i32
      %add3A_75 = arith.addi %add3A_54, %add3A_74 : i32
      %lt3A_76 = arith.constant 48 : i32
      %lt3A_77 = arith.cmpi slt, %add3A_75, %lt3A_76 : i32
      %convert_element_type3A_78 = arith.extui %lt3A_77 : i1 to i32
      %cond3A_79 = arith.constant 0 : i32
      %cond3A_80 = arith.cmpi ne, %convert_element_type3A_78, %cond3A_79 : i32
      scf.if %cond3A_80 {
        %add3A_111 = arith.constant 2 : i32
        %add3A_112 = arith.addi %add3A_54, %add3A_111 : i32
        %dma_start3A_113 = arith.constant 0 : i32
        %dma_start3A_114 = tpu.memref_slice %arg5[%add3A_112, %dma_start3A_113] : memref<48x64xi32, #tpu.memory_space<vmem>> -> memref<1x64xi32, #tpu.memory_space<vmem>>
        %dma_start3A_115 = tpu.memref_squeeze %dma_start3A_114 : memref<1x64xi32, #tpu.memory_space<vmem>> -> memref<64xi32, #tpu.memory_space<vmem>>
        %dma_start3A_116 = arith.constant 0 : i32
        %dma_start3A_117 = arith.constant 0 : i32
        %dma_start3A_118 = tpu.memref_slice %arg2[%dma_start3A_116, %dma_start3A_117] : memref<98304x512xf32, #tpu.memory_space<hbm>> -> memref<98304x512xf32, #tpu.memory_space<hbm>>
        tpu.enqueue_indirect_dma source(%dma_start3A_118 : memref<98304x512xf32, #tpu.memory_space<hbm>>) target(%arg6 : memref<64x512xf32, #tpu.memory_space<vmem>>) offsets(%dma_start3A_115 : memref<64xi32, #tpu.memory_space<vmem>>) semaphore(%arg9 : memref<!tpu.dma_semaphore, #tpu.memory_space<semaphore_mem>>)
      } else {
      }
      %mul3A_81 = arith.constant 3 : i32
      %mul3A_82 = arith.muli %scan3A_24, %mul3A_81 : i32
      %add3A_83 = arith.constant 2 : i32
      %add3A_84 = arith.addi %mul3A_82, %add3A_83 : i32
      %dma_wait3A_85 = arith.constant 0 : i32
      %dma_wait3A_86 = arith.constant 0 : i32
      %dma_wait3A_87 = tpu.memref_slice %arg5[%dma_wait3A_85, %dma_wait3A_86] : memref<48x64xi32, #tpu.memory_space<vmem>> -> memref<1x64xi32, #tpu.memory_space<vmem>>
      %dma_wait3A_88 = tpu.memref_squeeze %dma_wait3A_87 : memref<1x64xi32, #tpu.memory_space<vmem>> -> memref<64xi32, #tpu.memory_space<vmem>>
      %dma_wait3A_89 = arith.constant 0 : i32
      %dma_wait3A_90 = arith.constant 0 : i32
      %dma_wait3A_91 = tpu.memref_slice %arg2[%dma_wait3A_89, %dma_wait3A_90] : memref<98304x512xf32, #tpu.memory_space<hbm>> -> memref<98304x512xf32, #tpu.memory_space<hbm>>
      tpu.wait_indirect_dma semaphore(%arg11 : memref<!tpu.dma_semaphore, #tpu.memory_space<semaphore_mem>>) src(%dma_wait3A_91 : memref<98304x512xf32, #tpu.memory_space<hbm>>) dst(%arg8 : memref<64x512xf32, #tpu.memory_space<vmem>>)
      %mul3A_92 = arith.constant 64 : i32
      %mul3A_93 = arith.muli %add3A_84, %mul3A_92 : i32
      %add3A_94 = arith.addi %mul3A_2, %mul3A_93 : i32
      %dma_start3A_95 = arith.constant 0 : i32
      %dma_start3A_96 = tpu.memref_slice %arg4[%add3A_94, %dma_start3A_95] : memref<98304x512xf32, #tpu.memory_space<hbm>> -> memref<64x512xf32, #tpu.memory_space<hbm>>
      %dma_start3A_97 = arith.constant 0 : i32
      %dma_start3A_98 = tpu.memref_slice %arg4[%add3A_94, %dma_start3A_97] : memref<98304x512xf32, #tpu.memory_space<hbm>> -> memref<64x512xf32, #tpu.memory_space<hbm>>
      tpu.enqueue_dma source(%arg8 : memref<64x512xf32, #tpu.memory_space<vmem>>) target(%dma_start3A_98 : memref<64x512xf32, #tpu.memory_space<hbm>>) target_semaphore(%arg14 : memref<!tpu.dma_semaphore, #tpu.memory_space<semaphore_mem>>)
      %ge3A_99 = arith.constant 1 : i32
      %ge3A_100 = arith.cmpi sge, %add3A_84, %ge3A_99 : i32
      %convert_element_type3A_101 = arith.extui %ge3A_100 : i1 to i32
      %cond3A_102 = arith.constant 0 : i32
      %cond3A_103 = arith.cmpi ne, %convert_element_type3A_101, %cond3A_102 : i32
      scf.if %cond3A_103 {
        %dma_wait3A_111 = arith.constant 0 : i32
        %dma_wait3A_112 = tpu.memref_slice %arg4[%mul3A_2, %dma_wait3A_111] : memref<98304x512xf32, #tpu.memory_space<hbm>> -> memref<64x512xf32, #tpu.memory_space<hbm>>
        %dma_wait3A_113 = arith.constant 0 : i32
        %dma_wait3A_114 = tpu.memref_slice %arg4[%mul3A_2, %dma_wait3A_113] : memref<98304x512xf32, #tpu.memory_space<hbm>> -> memref<64x512xf32, #tpu.memory_space<hbm>>
        tpu.wait_dma2 semaphore(%arg13 : memref<!tpu.dma_semaphore, #tpu.memory_space<semaphore_mem>>) src(%arg7 : memref<64x512xf32, #tpu.memory_space<vmem>>) dst(%dma_wait3A_114 : memref<64x512xf32, #tpu.memory_space<hbm>>)
      } else {
      }
      %add3A_104 = arith.constant 2 : i32
      %add3A_105 = arith.addi %add3A_84, %add3A_104 : i32
      %lt3A_106 = arith.constant 48 : i32
      %lt3A_107 = arith.cmpi slt, %add3A_105, %lt3A_106 : i32
      %convert_element_type3A_108 = arith.extui %lt3A_107 : i1 to i32
      %cond3A_109 = arith.constant 0 : i32
      %cond3A_110 = arith.cmpi ne, %convert_element_type3A_108, %cond3A_109 : i32
      scf.if %cond3A_110 {
        %add3A_111 = arith.constant 2 : i32
        %add3A_112 = arith.addi %add3A_84, %add3A_111 : i32
        %dma_start3A_113 = arith.constant 0 : i32
        %dma_start3A_114 = tpu.memref_slice %arg5[%add3A_112, %dma_start3A_113] : memref<48x64xi32, #tpu.memory_space<vmem>> -> memref<1x64xi32, #tpu.memory_space<vmem>>
        %dma_start3A_115 = tpu.memref_squeeze %dma_start3A_114 : memref<1x64xi32, #tpu.memory_space<vmem>> -> memref<64xi32, #tpu.memory_space<vmem>>
        %dma_start3A_116 = arith.constant 0 : i32
        %dma_start3A_117 = arith.constant 0 : i32
        %dma_start3A_118 = tpu.memref_slice %arg2[%dma_start3A_116, %dma_start3A_117] : memref<98304x512xf32, #tpu.memory_space<hbm>> -> memref<98304x512xf32, #tpu.memory_space<hbm>>
        tpu.enqueue_indirect_dma source(%dma_start3A_118 : memref<98304x512xf32, #tpu.memory_space<hbm>>) target(%arg7 : memref<64x512xf32, #tpu.memory_space<vmem>>) offsets(%dma_start3A_115 : memref<64xi32, #tpu.memory_space<vmem>>) semaphore(%arg10 : memref<!tpu.dma_semaphore, #tpu.memory_space<semaphore_mem>>)
      } else {
      }
    }
    %scan3A_20 = arith.constant 16 : i32
    %dma_wait3A = arith.constant 0 : i32
    %dma_wait3A_21 = tpu.memref_slice %arg4[%mul3A_2, %dma_wait3A] : memref<98304x512xf32, #tpu.memory_space<hbm>> -> memref<64x512xf32, #tpu.memory_space<hbm>>
    %dma_wait3A_22 = arith.constant 0 : i32
    %dma_wait3A_23 = tpu.memref_slice %arg4[%mul3A_2, %dma_wait3A_22] : memref<98304x512xf32, #tpu.memory_space<hbm>> -> memref<64x512xf32, #tpu.memory_space<hbm>>
    tpu.wait_dma2 semaphore(%arg14 : memref<!tpu.dma_semaphore, #tpu.memory_space<semaphore_mem>>) src(%arg8 : memref<64x512xf32, #tpu.memory_space<vmem>>) dst(%dma_wait3A_23 : memref<64x512xf32, #tpu.memory_space<hbm>>)
    return
  }
}

</mosaic_0001>

<sc_bundles>
// kernel: kernel.3.cloned.1.call-start
scs
__scs_entry_jumppad:
0x0: {  	(pc) =	sbr.rel $0x88, $3  }
0x1: {  	(tag) =	ssettag $0x0;
	lr =	simm.s32 $0x1  }
0x2: {  	[smem:$0x3FA0] =	sst lr;
	_ =	strace $0xD0000000  }
0x3: {  	_ = 	snop  }
0x4: {  	_ = 	snop  }
0x5: {  	_ = 	snop  }
0x6: {  	_ = 	snop  }
0x7: {  	_ = 	snop  }
__scs_overlays_trampoline_lowered:
0x8: {  	[smem:$0x3FAF] =	sst s0  }
0x9: {  	[smem:$0x3FB0] =	sst s1  }
0xa: {  	[smem:$0x3FB1] =	sst s2  }
0xb: {  	[smem:$0x3FB2] =	sst s3  }
0xc: {  	[smem:$0x3FB3] =	sst s4  }
0xd: {  	[smem:$0x3FB4] =	sst s5  }
0xe: {  	[smem:$0x3FB5] =	sst s6  }
0xf: {  	[smem:$0x3FB6] =	sst s7  }
0x10: {  	[smem:$0x3FB7] =	sst s8  }
0x11: {  	[smem:$0x3FB8] =	sst s9;
	s0 =	simm.s32 @!p0 $0x0  }
0x12: {  	s1 =	sld [smem:$0x3F9E];
	s0 =	simm.s32 @p0 $0x1  }
0x13: {  	[smem:$0x3FB9] =	sst s0;
	s0 =	simm.s32 @!p1 $0x0  }
0x14: {  	s2 =	sld [smem:$0x3F9D];
	s0 =	simm.s32 @p1 $0x1  }
0x15: {  	[smem:$0x3FBA] =	sst s0;
	s0 =	simm.s32 @!p2 $0x0  }
0x16: {  	s3 =	sld [smem:$0x3FDB];
	s0 =	simm.s32 @p2 $0x1  }
0x17: {  	s4 =	simm.s32 $0x1BF5;
	[smem:$0x3FBC] =	sst s0  }
0x18: {  	s0 =	sld [smem:$0x3F9F];
	_ =	swait.ge [sflag:s4], $0x0  }
0x19: {  	s7 =	sld [smem:$0x3FA0]  }
0x1a: {  	s8 =	sadd.s32 $0xFFFFE003, lr  }
0x1b: {  	s9 =	sadd.s32 $0xFFFFFEF7, lr;
	s5 =	simm.s32 $0xFFFFFFFF;
	p2 =	slt.u32 s8, $0xFFFFF086  }
0x1c: {  	p1 =	slt.u32 s9, $0xF7A;
	s5 =	simm.s32 @!p2 $0x0  }
0x1d: {  	s5 =	simm.s32 @p1 $0x1;
	p0 =	seq.s32 s7, s2  }
0x1e: {  	s7 =	smul.u32 @!p0 $0xF7A, s2;
	p2 =	seq.s32 @!p0 s5, $0x0  }
0x1f: {  	s9 =	smul.u32 $0xF7A, s1;
	s8 =	simm.s32 @!p0 $0x1BF5;
	p2 =	por !p2, p0  }
0x20: {  	[sflag:s8] =	ssyncset.s32 @!p0 $0xFFFFF086;
	s6 =	sadd.s32 @!p0 s3, s7;
	s7 =	simm.s32 @!p0 $0x108  }
0x21: {  	s3 =	sadd.s32 s3, s9;
	s6 =	sadd.s32 @!p0 $0x88, s6;
	s7 =	simm.s32 @p2 $0x1082  }
0x22: {  	[simem:s7], [sflag:s8] =	dma.local @!p0 [hbm:s6], $0xF7A  }
0x23: {  	s9 =	sor.u32 $0xD0000000, s2;
	s6 =	simm.s32 $0x108;
	_ =	swait.ge @!p0 [sflag:s8], $0x0  }
0x24: {  	s3 =	sadd.s32 $0x88, s3;
	s6 =	simm.s32 @!p1 $0x1082;
	[sflag:s4] =	ssyncset.s32 $0xFFFFF086  }
0x25: {  	[simem:s6], [sflag:s4] =	dma.local [hbm:s3], $0xF7A  }
0x26: {  	[smem:$0x3FA0] =	sst s1;
	(tag) =	ssettag s2;
	_ =	strace s9  }
0x27: {  	s1 =	sld [smem:$0x3FB0]  }
0x28: {  	s2 =	sld [smem:$0x3FB1]  }
0x29: {  	s4 =	sld [smem:$0x3FB3]  }
0x2a: {  	p0 =	seq.s32 s5, $0x0;
	s5 =	sld [smem:$0x3FB4]  }
0x2b: {  	s6 =	sld [smem:$0x3FB5]  }
0x2c: {  	s7 =	sld [smem:$0x3FB6]  }
0x2d: {  	s3 =	simm.s32 $0x108;
	s8 =	sld [smem:$0x3FB7]  }
0x2e: {  	s3 =	simm.s32 @!p0 $0x1082;
	s9 =	sld [smem:$0x3FB8]  }
0x2f: {  	lr =	sadd.s32 s0, s3;
	s0 =	sld [smem:$0x3FAF]  }
0x30: {  	s3 =	sld [smem:$0x3FB2]  }
0x31: {  	[smem:$0x3FBB] =	sst s10  }
0x32: {  	s10 =	sld [smem:$0x3FB9];
	_ =	sdelay $0x3  }
0x33: {  	p0 =	seq.s32 s10, $0x1;
	s10 =	sld [smem:$0x3FBB];
	_ =	sdelay $0x3  }
0x34: {  	[smem:$0x3FBB] =	sst s10  }
0x35: {  	s10 =	sld [smem:$0x3FBA];
	_ =	sdelay $0x3  }
0x36: {  	p1 =	seq.s32 s10, $0x1;
	s10 =	sld [smem:$0x3FBB];
	_ =	sdelay $0x3  }
0x37: {  	[smem:$0x3FBB] =	sst s10  }
0x38: {  	s10 =	sld [smem:$0x3FBC]  }
0x39: {  	_ = 	snop;
	(pc) =	sbr.ind lr, $3  }
0x3a: {  	_ = 	snop  }
0x3b: {  	_ = 	snop  }
0x3c: {  	p2 =	seq.s32 s10, $0x1;
	s10 =	sld [smem:$0x3FBB]  }
0x3d: {  	_ =	shalt  }
0x3e: {  	_ =	shalt  }
0x3f: {  	_ =	shalt  }
0x40: {  	_ =	shalt  }
0x41: {  	_ =	shalt  }
0x42: {  	_ =	shalt  }
0x43: {  	_ =	shalt  }
0x44: {  	_ =	shalt  }
0x45: {  	_ =	shalt  }
0x46: {  	_ =	shalt  }
0x47: {  	_ =	shalt  }
0x48: {  	_ =	shalt  }
0x49: {  	_ =	shalt  }
0x4a: {  	_ =	shalt  }
0x4b: {  	_ =	shalt  }
0x4c: {  	_ =	shalt  }
0x4d: {  	_ =	shalt  }
0x4e: {  	_ =	shalt  }
0x4f: {  	_ =	shalt  }
0x50: {  	_ =	shalt  }
0x51: {  	_ =	shalt  }
0x52: {  	_ =	shalt  }
0x53: {  	_ =	shalt  }
0x54: {  	_ =	shalt  }
0x55: {  	_ =	shalt  }
0x56: {  	_ =	shalt  }
0x57: {  	_ =	shalt  }
0x58: {  	_ =	shalt  }
0x59: {  	_ =	shalt  }
0x5a: {  	_ =	shalt  }
0x5b: {  	_ =	shalt  }
0x5c: {  	_ =	shalt  }
0x5d: {  	_ =	shalt  }
0x5e: {  	_ =	shalt  }
0x5f: {  	_ =	shalt  }
0x60: {  	_ =	shalt  }
0x61: {  	_ =	shalt  }
0x62: {  	_ =	shalt  }
0x63: {  	_ =	shalt  }
0x64: {  	_ =	shalt  }
0x65: {  	_ =	shalt  }
0x66: {  	_ =	shalt  }
0x67: {  	_ =	shalt  }
0x68: {  	_ =	shalt  }
0x69: {  	_ =	shalt  }
0x6a: {  	_ =	shalt  }
0x6b: {  	_ =	shalt  }
0x6c: {  	_ =	shalt  }
0x6d: {  	_ =	shalt  }
0x6e: {  	_ =	shalt  }
0x6f: {  	_ =	shalt  }
0x70: {  	_ =	shalt  }
0x71: {  	_ =	shalt  }
0x72: {  	_ =	shalt  }
0x73: {  	_ =	shalt  }
0x74: {  	_ =	shalt  }
0x75: {  	_ =	shalt  }
0x76: {  	_ =	shalt  }
0x77: {  	_ =	shalt  }
0x78: {  	_ =	shalt  }
0x79: {  	_ =	shalt  }
0x7a: {  	_ =	shalt  }
0x7b: {  	_ =	shalt  }
0x7c: {  	_ =	shalt  }
0x7d: {  	_ =	shalt  }
0x7e: {  	_ =	shalt  }
0x7f: {  	_ =	shalt  }
0x80: {  	_ =	shalt  }
0x81: {  	_ =	shalt  }
0x82: {  	_ =	shalt  }
0x83: {  	_ =	shalt  }
0x84: {  	_ =	shalt  }
0x85: {  	_ =	shalt  }
0x86: {  	_ =	shalt  }
0x87: {  	_ =	shalt  }
.Lfunc_end0:
.L_simem_size_0:
called_computation_lowered:
.L_overlay_start_0:
0x88: {  	s2 =	sld [smem:$0x3FD9]  }
0x89: {  	s3 =	sld [smem:$0x3FFE];
	_ =	sdelay $0x1  }
0x8a: {  	s1 =	srdreg.scid  }
0x8b: {  	s0 =	sand.u32 $0x1, s1  }
0x8c: {  	s17 =	sshll.u32 s0, $0xA;
	s2 =	sadd.s32 s3, s2  }
0x8d: {  	s2 =	sadd.s32 s2, s17  }
0x8e: {  	[smem:$0x3FC7] =	sst s2  }
0x8f: {  	_ = 	snop  }
0x90: {  	s2 =	sld [smem:$0x3FC9]  }
0x91: {  	s18 =	sld [smem:$0x3FD0];
	(tm) =	ssettm $0x1  }
0x92: {  	s4 =	sld [smem:$0x3FFB];
	_ =	sdelay $0x3  }
0x93: {  	_ =	strace s4  }
0x94: {  	s4 =	sld [smem:$0x3FFC];
	_ =	sdelay $0x3  }
0x95: {  	_ =	strace s4  }
0x96: {  	s4 =	sld [smem:$0x3FFD];
	_ =	sdelay $0x3  }
0x97: {  	_ =	strace s4  }
0x98: {  	_ =	strace $0x8FFFFFFF  }
0x99: {  	s19 =	sld [smem:$0x3FDB];
	_ =	sdelay $0x1  }
0x9a: {  	s5 =	simm.s32 $_scs_section_size  }
0x9b: {  	s6 =	simm.s32 $_size__tile_overlayer_lowered;
	s7 =	simm.s32 $_tile_overlayer_lowered  }
0x9c: {  	s22 =	simm.s32 $0x1BFF;
	s21 =	sshll.u32 s7, $0x1;
	s4 =	sadd.s32 s5, s19  }
0x9d: {  	s8 =	simm.s32 $0x0;
	s20 =	sshll.u32 s6, $0x1;
	s6 =	sadd.s32 s21, s4  }
0x9e: {  	[timem:s8], [sflag:s22] =	dma.local [hbm:s6], s20  }
0x9f: {  	_ =	swait.ge [sflag:s22], s20  }
0xa0: {  	s5 =	ssub.s32 $0x0, s20;
	[sflag:s22] =	ssyncset.done $0x0  }
0xa1: {  	[sflag:s22] =	ssyncadd.s32 s5;
	_ =	sdelay $0x1  }
0xa2: {  	s23 =	simm.s32 $0x1B8B  }
0xa3: {  	_ =	swait.ge [sflag:s23], $0x1  }
0xa4: {  	[sflag:s23] =	ssyncset.done $0x0  }
0xa5: {  	s25 =	simm.s32 $0x1B8E;
	s24 =	sld [smem:$0x3FFE];
	[sflag:s23] =	ssyncadd.s32 $0xFFFFFFFF  }
0xa6: {  	s26 =	simm.s32 $execute0_lowered;
	[smem:$0x3FD2] =	sst s25  }
0xa7: {  	s6 =	sshll.u32 s26, $0x1;
	_ =	strace $0x80000046;
	[dreg:$0x1] =	wrdreg $0xFFFFFFFF  }
0xa8: {  	s28 =	simm.s32 $_size_execute0_lowered;
	s4 =	sadd.s32 s4, s6;
	[dreg:$0x0] =	wrdreg $0x0  }
0xa9: {  	s6 =	sshll.u32 s28, $0x1;
	[dreg:$0x2] =	wrdreg s4  }
0xaa: {  	[dreg:$0x3] =	wrdreg s6  }
0xab: {  	[dreg:$0x4] =	wrdreg $0xC0  }
0xac: {  	_ =	task [dreg:s8], $0x5FFFF  }
0xad: {  	[dreg:$0x1] =	wrdreg $0xFFFFFFFF  }
0xae: {  	[dreg:$0x0] =	wrdreg $0x60  }
0xaf: {  	[dreg:$0x2] =	wrdreg s2  }
0xb0: {  	[dreg:$0x3] =	wrdreg s24  }
0xb1: {  	[dreg:$0x4] =	wrdreg s18  }
0xb2: {  	[dreg:$0x5] =	wrdreg $0x9  }
0xb3: {  	_ =	task.clear_ibuf [dreg:s8], $0x6FFFF;
	_ =	strace $0x90000046  }
0xb4: {  	s29 =	simm.s32 $0x9;
	_ =	strace $0x80000048  }
0xb5: {  	_ =	swait.ge [sflag:s29], $0x1  }
0xb6: {  	[sflag:s29] =	ssyncadd.s32 $0xFFFFFFFF  }
0xb7: {  	_ =	strace $0x90000048  }
0xb8: {  	_ =	sfence  }
0xb9: {  	s30 =	sld [smem:$0x0];
	_ =	sdelay $0x2  }
0xba: {  	s31 =	sshll.u32 s1, $0xD;
	s1 =	sshrl.u32 s1, $0x2  }
0xbb: {  	s3 =	sand.u32 $0x4000, s31;
	s1 =	sadd.s32 s1, s30  }
0xbc: {  	s0 =	sor.u32 s3, s0;
	s1 =	sshll.u32 s1, $0x11  }
0xbd: {  	s0 =	sor.u32 s1, s0  }
0xbe: {  	s0 =	sadd.s32 $0x8F2B, s0  }
0xbf: {  	[sflag:s0] =	ssyncadd.remote.s32 $0x1  }
0xc0: {  	_ =	sfence.sel $0xFFFF  }
0xc1: {  	[dreg:$0x0] =	wrdreg $0xFFFFFFFF;
	(pc) =	sbr.abs _section_cstart, $3  }
0xc2: {  	[dreg:$0x1] =	wrdreg $0xFFFFFFFF  }
0xc3: {  	_ =	task.clear_ibuf [dreg:s8], $0x2FFFF;
	_ =	strace $0x9FFFFFFF  }
0xc4: {  	(tm) =	ssettm $0x7FFFFFFF  }
0xc5: {  	_ =	shalt  }
tec
execute0_lowered:
.L_overlay_start_1:
0x0: {  	(tag) =	ssettag $0x1  }
0x1: {  	s1 =	rddreg [dreg:$0x0]  }
0x2: {  	s0 =	srdreg.scid;
	s2 =	rddreg [dreg:$0x1]  }
0x3: {  	s10 =	stileid.u32;
	s4 =	rddreg [dreg:$0x2];
	s11 =	simm.s32 $0x1800  }
0x4: {  	s28 =	simm.s32 $0x9800;
	s19 =	simm.s32 $0x1;
	s20 =	simm.s32 $0x11800  }
0x5: {  	s29 =	simm.s32 $0x15000;
	s30 =	simm.s32 $0x15800;
	s31 =	simm.s32 $0x16000  }
0x6: {  	s12 =	simm.s32 $0x19000;
	s13 =	simm.s32 $0x2;
	s14 =	simm.s32 $0x4  }
0x7: {  	s15 =	simm.s32 $0x3;
	s16 =	simm.s32 $0x5;
	s7 =	smul.u32 $0x300000, s10  }
0x8: {  	s21 =	simm.s32 $0x0;
	s0 =	sand.u32 $0x1, s0;
	s23 =	smul.u32 $0x60000, s10  }
0x9: {  	s3 =	sshll.u32 s10, $0x1;
	s10 =	simm.s32 $0x18800;
	s9 =	smul.u32 $0x180000, s0  }
0xa: {  	s3 =	sor.u32 s0, s3;
	s6 =	ssub.s32 $0x2, s0;
	s0 =	smul.u32 $0x30000, s0  }
0xb: {  	s5 =	smul.u32 $0x300, s3;
	s3 =	simm.s32 $0x0;
	s8 =	sshrl.u32 s6, $0x1  }
0xc: {  	s25 =	sadd.s32 s23, s4;
	s23 =	simm.s32 $0x13000;
	[smem:$0x7FF] =	sst s3  }
0xd: {  	s6 =	ssub.s32 s6, s8;
	s22 =	sadd.s32 s9, s7;
	s8 =	sadd.s32 s0, s25  }
0xe: {  	s25 =	simm.s32 $0x14000;
	s0 =	simm.s32 $0x17000;
	_ =	strace $0x80000047  }
0xf: {  	s2 =	sadd.s32 s2, s5;
	s5 =	sadd.s32 $0x100, s1;
	s6 =	smax.u32 s6, $0x1  }
.Ltmp0:
0x10: {  	s24 =	sor.u32 $0x10000, s22;
	[dreg:$0x4] =	wrdreg s2;
	(pc) =	sbr.rel .LBB2_1-.Ltmp0, $4  }
0x11: {  	[dreg:$0x5] =	wrdreg s6;
	s6 =	sshrl.u32 s24, $0x3;
	s2 =	sor.u32 $0x8000, s22  }
0x12: {  	v2 =	vlaneseq.u32;
	s22 =	simm.s32 $0x12800;
	s24 =	simm.s32 $0x13800;
	s7 =	sadd.s32 s6, s4  }
0x13: {  	vm0 =	vmmov $0xffff;
	v1 =	vshrl.u32 v2, $0x3;
	s26 =	sshrl.u32 s2, $0x3;
	s2 =	simm.s32 $0x16800;
	s6 =	simm.s32 $0x18000  }
0x14: {  	v0 =	vand.u32 $0x7, v2;
	v2 =	vor.u32 $0x8, v2;
	v1 =	vmul.u32 $0x8, v1;
	s9 =	sadd.s32 s26, s4;
	s26 =	simm.s32 $0x14800;
	s4 =	simm.s32 $0x17800  }
.LBB2_6:
0x15: {  	s18 =	simm.s32 $0x6  }
0x16: {  	_ =	swait.ge [sflag:s18], $0x8000  }
0x17: {  	s21 =	rddreg [dreg:$0x6]  }
0x18: {  	s17 =	rddreg [dreg:$0x5];
	s21 =	sadd.s32 $0x1, s21  }
0x19: {  	p0 =	sne.s32 s21, s17  }
.Ltmp1:
0x1a: {  	_ = 	snop;
	(pc) =	sbr.rel @!p0 .LBB2_7-.Ltmp1, $3  }
0x1b: {  	_ =	sdelay $0x1  }
0x1c: {  	[sflag:s18] =	ssyncset.done $0x0  }
0x1d: {  	[sflag:s18] =	ssyncadd.s32 $0xFFFF8000  }
.LBB2_1:
0x1e: {  	[dreg:$0x6] =	wrdreg s21  }
0x1f: {  	s17 =	rddreg [dreg:$0x4];
	s21 =	simm.s32 $0x7  }
0x20: {  	[tilespmem:s3], [sflag:$0x7] =	stream.linear.gather [hbm4b:s17+s3], $0x1800, $0x38;
	[tilespmem:$0x19800] =	vst v63  }
0x21: {  	_ =	swait.ge [sflag:s21], $0x1800  }
0x22: {  	[sflag:s21] =	ssyncset.done $0x0  }
0x23: {  	[sflag:s21] =	ssyncadd.s32 $0xFFFFE800  }
0x24: {  	v3 =	vld [tilespmem:$0x0];
	_ =	sdelay $0x4  }
0x25: {  	v4 =	vshll.u32 v3, $0x2  }
0x26: {  	v3 =	vand.u32 $0x7, v3;
	v4 =	vand.u32 $0xFFFFFFE0, v4  }
0x27: {  	v3 =	vor.u32 v3, v4  }
0x28: {  	v4 =	vperm.xlane v3, v0;
	_ =	sdelay $0x1  }
0x29: {  	v4 =	vadd.s32 v1, v4;
	_ =	sdelay $0x1  }
0x2a: {  	v3 =	vperm.xlane v3, v2;
	_ =	sdelay $0x1  }
0x2b: {  	v3 =	vadd.s32 v1, v3  }
0x2c: {  	[tilespmem:s11], [sflag:$0x1] =	stream.indirect_vreg.gather [hbm4b:s1+s3], $0x80, v4, vm0, $0xb8;
	[tilespmem:$0x19800] =	vst v63  }
0x2d: {  	s18 =	simm.s32 $0x2000  }
0x2e: {  	[tilespmem:s18], [sflag:$0x1] =	stream.indirect_vreg.gather [hbm4b:s5+s3], $0x80, v4, vm0, $0xb8;
	[tilespmem:$0x19800] =	vst v63  }
0x2f: {  	s21 =	simm.s32 $0x2800  }
0x30: {  	[tilespmem:s21], [sflag:$0x1] =	stream.indirect_vreg.gather [hbm4b:s1+s3], $0x80, v3, vm0, $0xb8;
	[tilespmem:$0x19800] =	vst v63  }
0x31: {  	s18 =	simm.s32 $0x3000  }
0x32: {  	[tilespmem:s18], [sflag:$0x1] =	stream.indirect_vreg.gather [hbm4b:s5+s3], $0x80, v3, vm0, $0xb8;
	[tilespmem:$0x19800] =	vst v63  }
0x33: {  	v3 =	vld [tilespmem:$0x10];
	_ =	sdelay $0x4  }
0x34: {  	v57 =	vshll.u32 v3, $0x2  }
0x35: {  	v3 =	vand.u32 $0x7, v3;
	v4 =	vand.u32 $0xFFFFFFE0, v57  }
0x36: {  	v3 =	vor.u32 v3, v4  }
0x37: {  	v4 =	vperm.xlane v3, v0;
	_ =	sdelay $0x1  }
0x38: {  	v4 =	vadd.s32 v1, v4;
	_ =	sdelay $0x1  }
0x39: {  	v3 =	vperm.xlane v3, v2;
	_ =	sdelay $0x1  }
0x3a: {  	s21 =	simm.s32 $0x3800;
	v3 =	vadd.s32 v1, v3  }
0x3b: {  	[tilespmem:s21], [sflag:$0x1] =	stream.indirect_vreg.gather [hbm4b:s1+s3], $0x80, v4, vm0, $0xb8;
	[tilespmem:$0x19800] =	vst v63  }
0x3c: {  	s18 =	simm.s32 $0x4000  }
0x3d: {  	[tilespmem:s18], [sflag:$0x1] =	stream.indirect_vreg.gather [hbm4b:s5+s3], $0x80, v4, vm0, $0xb8;
	[tilespmem:$0x19800] =	vst v63  }
0x3e: {  	s21 =	simm.s32 $0x4800  }
0x3f: {  	[tilespmem:s21], [sflag:$0x1] =	stream.indirect_vreg.gather [hbm4b:s1+s3], $0x80, v3, vm0, $0xb8;
	[tilespmem:$0x19800] =	vst v63  }
0x40: {  	s18 =	simm.s32 $0x5000  }
0x41: {  	[tilespmem:s18], [sflag:$0x1] =	stream.indirect_vreg.gather [hbm4b:s5+s3], $0x80, v3, vm0, $0xb8;
	[tilespmem:$0x19800] =	vst v63  }
0x42: {  	v3 =	vld [tilespmem:$0x20];
	_ =	sdelay $0x4  }
0x43: {  	v58 =	vshll.u32 v3, $0x2  }
0x44: {  	v3 =	vand.u32 $0x7, v3;
	v4 =	vand.u32 $0xFFFFFFE0, v58  }
0x45: {  	v3 =	vor.u32 v3, v4  }
0x46: {  	v4 =	vperm.xlane v3, v0;
	_ =	sdelay $0x1  }
0x47: {  	v4 =	vadd.s32 v1, v4;
	_ =	sdelay $0x1  }
0x48: {  	v3 =	vperm.xlane v3, v2;
	_ =	sdelay $0x1  }
0x49: {  	s21 =	simm.s32 $0x5800;
	v3 =	vadd.s32 v1, v3  }
0x4a: {  	[tilespmem:s21], [sflag:$0x1] =	stream.indirect_vreg.gather [hbm4b:s1+s3], $0x80, v4, vm0, $0xb8;
	[tilespmem:$0x19800] =	vst v63  }
0x4b: {  	s18 =	simm.s32 $0x6000  }
0x4c: {  	[tilespmem:s18], [sflag:$0x1] =	stream.indirect_vreg.gather [hbm4b:s5+s3], $0x80, v4, vm0, $0xb8;
	[tilespmem:$0x19800] =	vst v63  }
0x4d: {  	s21 =	simm.s32 $0x6800  }
0x4e: {  	[tilespmem:s21], [sflag:$0x1] =	stream.indirect_vreg.gather [hbm4b:s1+s3], $0x80, v3, vm0, $0xb8;
	[tilespmem:$0x19800] =	vst v63  }
0x4f: {  	s18 =	simm.s32 $0x7000  }
0x50: {  	[tilespmem:s18], [sflag:$0x1] =	stream.indirect_vreg.gather [hbm4b:s5+s3], $0x80, v3, vm0, $0xb8;
	[tilespmem:$0x19800] =	vst v63  }
0x51: {  	v3 =	vld [tilespmem:$0x30];
	_ =	sdelay $0x4  }
0x52: {  	v59 =	vshll.u32 v3, $0x2  }
0x53: {  	v3 =	vand.u32 $0x7, v3;
	v4 =	vand.u32 $0xFFFFFFE0, v59  }
0x54: {  	v3 =	vor.u32 v3, v4  }
0x55: {  	v4 =	vperm.xlane v3, v0;
	_ =	sdelay $0x1  }
0x56: {  	v4 =	vadd.s32 v1, v4;
	_ =	sdelay $0x1  }
0x57: {  	v3 =	vperm.xlane v3, v2;
	_ =	sdelay $0x1  }
0x58: {  	s21 =	simm.s32 $0x7800;
	v3 =	vadd.s32 v1, v3  }
0x59: {  	[tilespmem:s21], [sflag:$0x1] =	stream.indirect_vreg.gather [hbm4b:s1+s3], $0x80, v4, vm0, $0xb8;
	[tilespmem:$0x19800] =	vst v63  }
0x5a: {  	s18 =	simm.s32 $0x8000  }
0x5b: {  	[tilespmem:s18], [sflag:$0x1] =	stream.indirect_vreg.gather [hbm4b:s5+s3], $0x80, v4, vm0, $0xb8;
	[tilespmem:$0x19800] =	vst v63  }
0x5c: {  	s21 =	simm.s32 $0x8800  }
0x5d: {  	[tilespmem:s21], [sflag:$0x1] =	stream.indirect_vreg.gather [hbm4b:s1+s3], $0x80, v3, vm0, $0xb8;
	[tilespmem:$0x19800] =	vst v63  }
0x5e: {  	s18 =	simm.s32 $0x9000  }
0x5f: {  	[tilespmem:s18], [sflag:$0x1] =	stream.indirect_vreg.gather [hbm4b:s5+s3], $0x80, v3, vm0, $0xb8;
	[tilespmem:$0x19800] =	vst v63  }
0x60: {  	v3 =	vld [tilespmem:$0x80];
	_ =	sdelay $0x4  }
0x61: {  	v60 =	vshll.u32 v3, $0x2  }
0x62: {  	v3 =	vand.u32 $0x7, v3;
	v4 =	vand.u32 $0xFFFFFFE0, v60  }
0x63: {  	v3 =	vor.u32 v3, v4  }
0x64: {  	v4 =	vperm.xlane v3, v0;
	_ =	sdelay $0x1  }
0x65: {  	v4 =	vadd.s32 v1, v4;
	_ =	sdelay $0x1  }
0x66: {  	v3 =	vperm.xlane v3, v2;
	_ =	sdelay $0x1  }
0x67: {  	v3 =	vadd.s32 v1, v3  }
0x68: {  	[tilespmem:s28], [sflag:$0x2] =	stream.indirect_vreg.gather [hbm4b:s1+s3], $0x80, v4, vm0, $0xb8;
	[tilespmem:$0x19800] =	vst v63  }
0x69: {  	s21 =	simm.s32 $0xA000  }
0x6a: {  	[tilespmem:s21], [sflag:$0x2] =	stream.indirect_vreg.gather [hbm4b:s5+s3], $0x80, v4, vm0, $0xb8;
	[tilespmem:$0x19800] =	vst v63  }
0x6b: {  	s18 =	simm.s32 $0xA800  }
0x6c: {  	[tilespmem:s18], [sflag:$0x2] =	stream.indirect_vreg.gather [hbm4b:s1+s3], $0x80, v3, vm0, $0xb8;
	[tilespmem:$0x19800] =	vst v63  }
0x6d: {  	s21 =	simm.s32 $0xB000  }
0x6e: {  	[tilespmem:s21], [sflag:$0x2] =	stream.indirect_vreg.gather [hbm4b:s5+s3], $0x80, v3, vm0, $0xb8;
	[tilespmem:$0x19800] =	vst v63  }
0x6f: {  	v3 =	vld [tilespmem:$0x90];
	_ =	sdelay $0x4  }
0x70: {  	v61 =	vshll.u32 v3, $0x2  }
0x71: {  	v3 =	vand.u32 $0x7, v3;
	v4 =	vand.u32 $0xFFFFFFE0, v61  }
0x72: {  	v3 =	vor.u32 v3, v4  }
0x73: {  	v4 =	vperm.xlane v3, v0;
	_ =	sdelay $0x1  }
0x74: {  	v4 =	vadd.s32 v1, v4;
	_ =	sdelay $0x1  }
0x75: {  	v3 =	vperm.xlane v3, v2;
	_ =	sdelay $0x1  }
0x76: {  	s18 =	simm.s32 $0xB800;
	v3 =	vadd.s32 v1, v3  }
0x77: {  	[tilespmem:s18], [sflag:$0x2] =	stream.indirect_vreg.gather [hbm4b:s1+s3], $0x80, v4, vm0, $0xb8;
	[tilespmem:$0x19800] =	vst v63  }
0x78: {  	s21 =	simm.s32 $0xC000  }
0x79: {  	[tilespmem:s21], [sflag:$0x2] =	stream.indirect_vreg.gather [hbm4b:s5+s3], $0x80, v4, vm0, $0xb8;
	[tilespmem:$0x19800] =	vst v63  }
0x7a: {  	s18 =	simm.s32 $0xC800  }
0x7b: {  	[tilespmem:s18], [sflag:$0x2] =	stream.indirect_vreg.gather [hbm4b:s1+s3], $0x80, v3, vm0, $0xb8;
	[tilespmem:$0x19800] =	vst v63  }
0x7c: {  	s21 =	simm.s32 $0xD000  }
0x7d: {  	[tilespmem:s21], [sflag:$0x2] =	stream.indirect_vreg.gather [hbm4b:s5+s3], $0x80, v3, vm0, $0xb8;
	[tilespmem:$0x19800] =	vst v63  }
0x7e: {  	v3 =	vld [tilespmem:$0xA0];
	_ =	sdelay $0x4  }
0x7f: {  	v62 =	vshll.u32 v3, $0x2  }
0x80: {  	v3 =	vand.u32 $0x7, v3;
	v4 =	vand.u32 $0xFFFFFFE0, v62  }
0x81: {  	v3 =	vor.u32 v3, v4  }
0x82: {  	v4 =	vperm.xlane v3, v0;
	_ =	sdelay $0x1  }
0x83: {  	v4 =	vadd.s32 v1, v4;
	_ =	sdelay $0x1  }
0x84: {  	v3 =	vperm.xlane v3, v2;
	_ =	sdelay $0x1  }
0x85: {  	s18 =	simm.s32 $0xD800;
	v3 =	vadd.s32 v1, v3  }
0x86: {  	[tilespmem:s18], [sflag:$0x2] =	stream.indirect_vreg.gather [hbm4b:s1+s3], $0x80, v4, vm0, $0xb8;
	[tilespmem:$0x19800] =	vst v63  }
0x87: {  	s21 =	simm.s32 $0xE000  }
0x88: {  	[tilespmem:s21], [sflag:$0x2] =	stream.indirect_vreg.gather [hbm4b:s5+s3], $0x80, v4, vm0, $0xb8;
	[tilespmem:$0x19800] =	vst v63  }
0x89: {  	s18 =	simm.s32 $0xE800  }
0x8a: {  	[tilespmem:s18], [sflag:$0x2] =	stream.indirect_vreg.gather [hbm4b:s1+s3], $0x80, v3, vm0, $0xb8;
	[tilespmem:$0x19800] =	vst v63  }
0x8b: {  	s21 =	simm.s32 $0xF000  }
0x8c: {  	[tilespmem:s21], [sflag:$0x2] =	stream.indirect_vreg.gather [hbm4b:s5+s3], $0x80, v3, vm0, $0xb8;
	[tilespmem:$0x19800] =	vst v63  }
0x8d: {  	v3 =	vld [tilespmem:$0xB0];
	_ =	sdelay $0x4  }
0x8e: {  	v63 =	vshll.u32 v3, $0x2  }
0x8f: {  	v3 =	vand.u32 $0x7, v3;
	v4 =	vand.u32 $0xFFFFFFE0, v63  }
0x90: {  	v3 =	vor.u32 v3, v4  }
0x91: {  	v4 =	vperm.xlane v3, v0;
	_ =	sdelay $0x1  }
0x92: {  	v4 =	vadd.s32 v1, v4;
	_ =	sdelay $0x1  }
0x93: {  	v3 =	vperm.xlane v3, v2;
	_ =	sdelay $0x1  }
0x94: {  	s18 =	simm.s32 $0xF800;
	v3 =	vadd.s32 v1, v3  }
0x95: {  	[tilespmem:s18], [sflag:$0x2] =	stream.indirect_vreg.gather [hbm4b:s1+s3], $0x80, v4, vm0, $0xb8;
	[tilespmem:$0x19800] =	vst v63  }
0x96: {  	s21 =	simm.s32 $0x10000  }
0x97: {  	[tilespmem:s21], [sflag:$0x2] =	stream.indirect_vreg.gather [hbm4b:s5+s3], $0x80, v4, vm0, $0xb8;
	[tilespmem:$0x19800] =	vst v63  }
0x98: {  	s18 =	simm.s32 $0x10800  }
0x99: {  	[tilespmem:s18], [sflag:$0x2] =	stream.indirect_vreg.gather [hbm4b:s1+s3], $0x80, v3, vm0, $0xb8;
	[tilespmem:$0x19800] =	vst v63  }
0x9a: {  	s17 =	simm.s32 $0x120;
	s21 =	simm.s32 $0x11000;
	s18 =	simm.s32 $0x0  }
0x9b: {  	[tilespmem:s21], [sflag:$0x2] =	stream.indirect_vreg.gather [hbm4b:s5+s3], $0x80, v3, vm0, $0xb8;
	[tilespmem:$0x19800] =	vst v63  }
.LBB2_2:
0x9c: {  	_ =	swait.ge [sflag:s19], $0x8000  }
0x9d: {  	[sflag:s19] =	ssyncset.done $0x0  }
0x9e: {  	s21 =	sadd.s32 s18, s8;
	p0 =	seq.s32 s18, $0x0;
	[sflag:s19] =	ssyncadd.s32 $0xFFFF8000  }
0x9f: {  	[hbm4b:s21+s3] =	stream.linear.scatter [tilespmem:s11], [sflag:$0x4], $0x8000, $0x38;
	[tilespmem:$0x19800] =	vst v63  }
0xa0: {  	s21 =	simm.s32 @!p0 $0x6  }
0xa1: {  	_ =	swait.ge @!p0 [sflag:s21], $0x8000  }
0xa2: {  	[sflag:s21] =	ssyncset.done @!p0 $0x0  }
0xa3: {  	[sflag:s21] =	ssyncadd.s32 @!p0 $0xFFFF8000  }
0xa4: {  	v3 =	vld [tilespmem:s17+$0xFFFFFFE0];
	_ =	sdelay $0x4  }
0xa5: {  	v4 =	vshll.u32 v3, $0x2  }
0xa6: {  	v3 =	vand.u32 $0x7, v3;
	v4 =	vand.u32 $0xFFFFFFE0, v4  }
0xa7: {  	v3 =	vor.u32 v3, v4  }
0xa8: {  	v4 =	vperm.xlane v3, v0;
	_ =	sdelay $0x1  }
0xa9: {  	v4 =	vadd.s32 v1, v4;
	_ =	sdelay $0x1  }
0xaa: {  	v3 =	vperm.xlane v3, v2;
	_ =	sdelay $0x1  }
0xab: {  	v3 =	vadd.s32 v1, v3  }
0xac: {  	[tilespmem:s20], [sflag:$0x3] =	stream.indirect_vreg.gather [hbm4b:s1+s3], $0x80, v4, vm0, $0xb8;
	[tilespmem:$0x19800] =	vst v63  }
0xad: {  	s21 =	simm.s32 $0x12000  }
0xae: {  	[tilespmem:s21], [sflag:$0x3] =	stream.indirect_vreg.gather [hbm4b:s5+s3], $0x80, v4, vm0, $0xb8;
	[tilespmem:$0x19800] =	vst v63  }
0xaf: {  	_ = 	snop  }
0xb0: {  	[tilespmem:s22], [sflag:$0x3] =	stream.indirect_vreg.gather [hbm4b:s1+s3], $0x80, v3, vm0, $0xb8;
	[tilespmem:$0x19800] =	vst v63  }
0xb1: {  	_ = 	snop  }
0xb2: {  	[tilespmem:s23], [sflag:$0x3] =	stream.indirect_vreg.gather [hbm4b:s5+s3], $0x80, v3, vm0, $0xb8;
	[tilespmem:$0x19800] =	vst v63  }
0xb3: {  	v3 =	vld [tilespmem:s17+$0xFFFFFFF0];
	_ =	sdelay $0x4  }
0xb4: {  	v61 =	vshll.u32 v3, $0x2  }
0xb5: {  	v3 =	vand.u32 $0x7, v3;
	v4 =	vand.u32 $0xFFFFFFE0, v61  }
0xb6: {  	v3 =	vor.u32 v3, v4  }
0xb7: {  	v4 =	vperm.xlane v3, v0;
	_ =	sdelay $0x1  }
0xb8: {  	v4 =	vadd.s32 v1, v4;
	_ =	sdelay $0x1  }
0xb9: {  	v3 =	vperm.xlane v3, v2;
	_ =	sdelay $0x1  }
0xba: {  	v3 =	vadd.s32 v1, v3  }
0xbb: {  	[tilespmem:s24], [sflag:$0x3] =	stream.indirect_vreg.gather [hbm4b:s1+s3], $0x80, v4, vm0, $0xb8;
	[tilespmem:$0x19800] =	vst v63  }
0xbc: {  	_ = 	snop  }
0xbd: {  	[tilespmem:s25], [sflag:$0x3] =	stream.indirect_vreg.gather [hbm4b:s5+s3], $0x80, v4, vm0, $0xb8;
	[tilespmem:$0x19800] =	vst v63  }
0xbe: {  	_ = 	snop  }
0xbf: {  	[tilespmem:s26], [sflag:$0x3] =	stream.indirect_vreg.gather [hbm4b:s1+s3], $0x80, v3, vm0, $0xb8;
	[tilespmem:$0x19800] =	vst v63  }
0xc0: {  	_ = 	snop  }
0xc1: {  	[tilespmem:s29], [sflag:$0x3] =	stream.indirect_vreg.gather [hbm4b:s5+s3], $0x80, v3, vm0, $0xb8;
	[tilespmem:$0x19800] =	vst v63  }
0xc2: {  	v3 =	vld [tilespmem:s17+$0x0];
	_ =	sdelay $0x4  }
0xc3: {  	v62 =	vshll.u32 v3, $0x2  }
0xc4: {  	v3 =	vand.u32 $0x7, v3;
	v4 =	vand.u32 $0xFFFFFFE0, v62  }
0xc5: {  	v3 =	vor.u32 v3, v4  }
0xc6: {  	v4 =	vperm.xlane v3, v0;
	_ =	sdelay $0x1  }
0xc7: {  	v4 =	vadd.s32 v1, v4;
	_ =	sdelay $0x1  }
0xc8: {  	v3 =	vperm.xlane v3, v2;
	_ =	sdelay $0x1  }
0xc9: {  	v3 =	vadd.s32 v1, v3  }
0xca: {  	[tilespmem:s30], [sflag:$0x3] =	stream.indirect_vreg.gather [hbm4b:s1+s3], $0x80, v4, vm0, $0xb8;
	[tilespmem:$0x19800] =	vst v63  }
0xcb: {  	_ = 	snop  }
0xcc: {  	[tilespmem:s31], [sflag:$0x3] =	stream.indirect_vreg.gather [hbm4b:s5+s3], $0x80, v4, vm0, $0xb8;
	[tilespmem:$0x19800] =	vst v63  }
0xcd: {  	_ = 	snop  }
0xce: {  	[tilespmem:s2], [sflag:$0x3] =	stream.indirect_vreg.gather [hbm4b:s1+s3], $0x80, v3, vm0, $0xb8;
	[tilespmem:$0x19800] =	vst v63  }
0xcf: {  	_ = 	snop  }
0xd0: {  	[tilespmem:s0], [sflag:$0x3] =	stream.indirect_vreg.gather [hbm4b:s5+s3], $0x80, v3, vm0, $0xb8;
	[tilespmem:$0x19800] =	vst v63  }
0xd1: {  	v3 =	vld [tilespmem:s17+$0x10];
	_ =	sdelay $0x4  }
0xd2: {  	v63 =	vshll.u32 v3, $0x2  }
0xd3: {  	v3 =	vand.u32 $0x7, v3;
	v4 =	vand.u32 $0xFFFFFFE0, v63  }
0xd4: {  	v3 =	vor.u32 v3, v4  }
0xd5: {  	v4 =	vperm.xlane v3, v0;
	_ =	sdelay $0x1  }
0xd6: {  	v4 =	vadd.s32 v1, v4;
	_ =	sdelay $0x1  }
0xd7: {  	v3 =	vperm.xlane v3, v2;
	_ =	sdelay $0x1  }
0xd8: {  	v3 =	vadd.s32 v1, v3  }
0xd9: {  	[tilespmem:s4], [sflag:$0x3] =	stream.indirect_vreg.gather [hbm4b:s1+s3], $0x80, v4, vm0, $0xb8;
	[tilespmem:$0x19800] =	vst v63  }
0xda: {  	_ = 	snop  }
0xdb: {  	[tilespmem:s6], [sflag:$0x3] =	stream.indirect_vreg.gather [hbm4b:s5+s3], $0x80, v4, vm0, $0xb8;
	[tilespmem:$0x19800] =	vst v63  }
0xdc: {  	_ = 	snop  }
0xdd: {  	[tilespmem:s10], [sflag:$0x3] =	stream.indirect_vreg.gather [hbm4b:s1+s3], $0x80, v3, vm0, $0xb8;
	[tilespmem:$0x19800] =	vst v63  }
0xde: {  	_ = 	snop  }
0xdf: {  	[tilespmem:s12], [sflag:$0x3] =	stream.indirect_vreg.gather [hbm4b:s5+s3], $0x80, v3, vm0, $0xb8;
	[tilespmem:$0x19800] =	vst v63  }
0xe0: {  	_ =	swait.ge [sflag:s13], $0x8000  }
0xe1: {  	p0 =	seq.s32 s18, $0x2D000;
	[sflag:s13] =	ssyncset.done $0x0  }
.Ltmp2:
0xe2: {  	s21 =	sadd.s32 s18, s9;
	[sflag:s13] =	ssyncadd.s32 $0xFFFF8000;
	(pc) =	sbr.rel @p0 .LBB2_4-.Ltmp2, $4  }
0xe3: {  	[hbm4b:s21+s3] =	stream.linear.scatter [tilespmem:s28], [sflag:$0x5], $0x8000, $0x38;
	[tilespmem:$0x19800] =	vst v63  }
0xe4: {  	_ =	swait.ge [sflag:s14], $0x8000  }
0xe5: {  	[sflag:s14] =	ssyncset.done $0x0  }
0xe6: {  	[sflag:s14] =	ssyncadd.s32 $0xFFFF8000  }
0xe7: {  	v3 =	vld [tilespmem:s17+$0x60];
	_ =	sdelay $0x4  }
0xe8: {  	v4 =	vshll.u32 v3, $0x2  }
0xe9: {  	v3 =	vand.u32 $0x7, v3;
	v4 =	vand.u32 $0xFFFFFFE0, v4  }
0xea: {  	v3 =	vor.u32 v3, v4  }
0xeb: {  	v4 =	vperm.xlane v3, v0;
	_ =	sdelay $0x1  }
0xec: {  	v4 =	vadd.s32 v1, v4;
	_ =	sdelay $0x1  }
0xed: {  	v3 =	vperm.xlane v3, v2;
	_ =	sdelay $0x1  }
0xee: {  	v3 =	vadd.s32 v1, v3  }
0xef: {  	[tilespmem:s11], [sflag:$0x1] =	stream.indirect_vreg.gather [hbm4b:s1+s3], $0x80, v4, vm0, $0xb8;
	[tilespmem:$0x19800] =	vst v63  }
0xf0: {  	s21 =	simm.s32 $0x2000  }
0xf1: {  	[tilespmem:s21], [sflag:$0x1] =	stream.indirect_vreg.gather [hbm4b:s5+s3], $0x80, v4, vm0, $0xb8;
	[tilespmem:$0x19800] =	vst v63  }
0xf2: {  	s21 =	simm.s32 $0x2800  }
0xf3: {  	[tilespmem:s21], [sflag:$0x1] =	stream.indirect_vreg.gather [hbm4b:s1+s3], $0x80, v3, vm0, $0xb8;
	[tilespmem:$0x19800] =	vst v63  }
0xf4: {  	s21 =	simm.s32 $0x3000  }
0xf5: {  	[tilespmem:s21], [sflag:$0x1] =	stream.indirect_vreg.gather [hbm4b:s5+s3], $0x80, v3, vm0, $0xb8;
	[tilespmem:$0x19800] =	vst v63  }
0xf6: {  	v3 =	vld [tilespmem:s17+$0x70];
	_ =	sdelay $0x4  }
0xf7: {  	v61 =	vshll.u32 v3, $0x2  }
0xf8: {  	v3 =	vand.u32 $0x7, v3;
	v4 =	vand.u32 $0xFFFFFFE0, v61  }
0xf9: {  	v3 =	vor.u32 v3, v4  }
0xfa: {  	v4 =	vperm.xlane v3, v0;
	_ =	sdelay $0x1  }
0xfb: {  	v4 =	vadd.s32 v1, v4;
	_ =	sdelay $0x1  }
0xfc: {  	v3 =	vperm.xlane v3, v2;
	_ =	sdelay $0x1  }
0xfd: {  	s21 =	simm.s32 $0x3800;
	v3 =	vadd.s32 v1, v3  }
0xfe: {  	[tilespmem:s21], [sflag:$0x1] =	stream.indirect_vreg.gather [hbm4b:s1+s3], $0x80, v4, vm0, $0xb8;
	[tilespmem:$0x19800] =	vst v63  }
0xff: {  	s21 =	simm.s32 $0x4000  }
0x100: {  	[tilespmem:s21], [sflag:$0x1] =	stream.indirect_vreg.gather [hbm4b:s5+s3], $0x80, v4, vm0, $0xb8;
	[tilespmem:$0x19800] =	vst v63  }
0x101: {  	s21 =	simm.s32 $0x4800  }
0x102: {  	[tilespmem:s21], [sflag:$0x1] =	stream.indirect_vreg.gather [hbm4b:s1+s3], $0x80, v3, vm0, $0xb8;
	[tilespmem:$0x19800] =	vst v63  }
0x103: {  	s21 =	simm.s32 $0x5000  }
0x104: {  	[tilespmem:s21], [sflag:$0x1] =	stream.indirect_vreg.gather [hbm4b:s5+s3], $0x80, v3, vm0, $0xb8;
	[tilespmem:$0x19800] =	vst v63  }
0x105: {  	v3 =	vld [tilespmem:s17+$0x80];
	_ =	sdelay $0x4  }
0x106: {  	v62 =	vshll.u32 v3, $0x2  }
0x107: {  	v3 =	vand.u32 $0x7, v3;
	v4 =	vand.u32 $0xFFFFFFE0, v62  }
0x108: {  	v3 =	vor.u32 v3, v4  }
0x109: {  	v4 =	vperm.xlane v3, v0;
	_ =	sdelay $0x1  }
0x10a: {  	v4 =	vadd.s32 v1, v4;
	_ =	sdelay $0x1  }
0x10b: {  	v3 =	vperm.xlane v3, v2;
	_ =	sdelay $0x1  }
0x10c: {  	s21 =	simm.s32 $0x5800;
	v3 =	vadd.s32 v1, v3  }
0x10d: {  	[tilespmem:s21], [sflag:$0x1] =	stream.indirect_vreg.gather [hbm4b:s1+s3], $0x80, v4, vm0, $0xb8;
	[tilespmem:$0x19800] =	vst v63  }
0x10e: {  	s21 =	simm.s32 $0x6000  }
0x10f: {  	[tilespmem:s21], [sflag:$0x1] =	stream.indirect_vreg.gather [hbm4b:s5+s3], $0x80, v4, vm0, $0xb8;
	[tilespmem:$0x19800] =	vst v63  }
0x110: {  	s21 =	simm.s32 $0x6800  }
0x111: {  	[tilespmem:s21], [sflag:$0x1] =	stream.indirect_vreg.gather [hbm4b:s1+s3], $0x80, v3, vm0, $0xb8;
	[tilespmem:$0x19800] =	vst v63  }
0x112: {  	s21 =	simm.s32 $0x7000  }
0x113: {  	[tilespmem:s21], [sflag:$0x1] =	stream.indirect_vreg.gather [hbm4b:s5+s3], $0x80, v3, vm0, $0xb8;
	[tilespmem:$0x19800] =	vst v63  }
0x114: {  	v3 =	vld [tilespmem:s17+$0x90];
	_ =	sdelay $0x4  }
0x115: {  	v63 =	vshll.u32 v3, $0x2  }
0x116: {  	v3 =	vand.u32 $0x7, v3;
	v4 =	vand.u32 $0xFFFFFFE0, v63  }
0x117: {  	v3 =	vor.u32 v3, v4  }
0x118: {  	v4 =	vperm.xlane v3, v0;
	_ =	sdelay $0x1  }
0x119: {  	v4 =	vadd.s32 v1, v4;
	_ =	sdelay $0x1  }
0x11a: {  	v3 =	vperm.xlane v3, v2;
	_ =	sdelay $0x1  }
0x11b: {  	s21 =	simm.s32 $0x7800;
	v3 =	vadd.s32 v1, v3  }
0x11c: {  	[tilespmem:s21], [sflag:$0x1] =	stream.indirect_vreg.gather [hbm4b:s1+s3], $0x80, v4, vm0, $0xb8;
	[tilespmem:$0x19800] =	vst v63  }
0x11d: {  	s21 =	simm.s32 $0x8000  }
0x11e: {  	[tilespmem:s21], [sflag:$0x1] =	stream.indirect_vreg.gather [hbm4b:s5+s3], $0x80, v4, vm0, $0xb8;
	[tilespmem:$0x19800] =	vst v63  }
0x11f: {  	s21 =	simm.s32 $0x8800  }
0x120: {  	[tilespmem:s21], [sflag:$0x1] =	stream.indirect_vreg.gather [hbm4b:s1+s3], $0x80, v3, vm0, $0xb8;
	[tilespmem:$0x19800] =	vst v63  }
0x121: {  	s21 =	simm.s32 $0x9000  }
0x122: {  	[tilespmem:s21], [sflag:$0x1] =	stream.indirect_vreg.gather [hbm4b:s5+s3], $0x80, v3, vm0, $0xb8;
	[tilespmem:$0x19800] =	vst v63  }
.LBB2_4:
0x123: {  	_ =	swait.ge [sflag:s15], $0x8000  }
0x124: {  	[sflag:s15] =	ssyncset.done $0x0  }
.Ltmp3:
0x125: {  	s21 =	sadd.s32 s18, s7;
	[sflag:s15] =	ssyncadd.s32 $0xFFFF8000;
	(pc) =	sbr.rel @p0 .LBB2_6-.Ltmp3, $4  }
0x126: {  	[hbm4b:s21+s3] =	stream.linear.scatter [tilespmem:s20], [sflag:$0x6], $0x8000, $0x38;
	[tilespmem:$0x19800] =	vst v63  }
0x127: {  	_ =	swait.ge [sflag:s16], $0x8000  }
0x128: {  	[sflag:s16] =	ssyncset.done $0x0  }
0x129: {  	[sflag:s16] =	ssyncadd.s32 $0xFFFF8000  }
0x12a: {  	v3 =	vld [tilespmem:s17+$0xE0];
	_ =	sdelay $0x4  }
0x12b: {  	v4 =	vshll.u32 v3, $0x2  }
0x12c: {  	v3 =	vand.u32 $0x7, v3;
	v4 =	vand.u32 $0xFFFFFFE0, v4  }
0x12d: {  	v3 =	vor.u32 v3, v4  }
0x12e: {  	v4 =	vperm.xlane v3, v0;
	_ =	sdelay $0x1  }
0x12f: {  	v4 =	vadd.s32 v1, v4;
	_ =	sdelay $0x1  }
0x130: {  	v3 =	vperm.xlane v3, v2;
	_ =	sdelay $0x1  }
0x131: {  	v3 =	vadd.s32 v1, v3  }
0x132: {  	[tilespmem:s28], [sflag:$0x2] =	stream.indirect_vreg.gather [hbm4b:s1+s3], $0x80, v4, vm0, $0xb8;
	[tilespmem:$0x19800] =	vst v63  }
0x133: {  	s21 =	simm.s32 $0xA000  }
0x134: {  	[tilespmem:s21], [sflag:$0x2] =	stream.indirect_vreg.gather [hbm4b:s5+s3], $0x80, v4, vm0, $0xb8;
	[tilespmem:$0x19800] =	vst v63  }
0x135: {  	s21 =	simm.s32 $0xA800  }
0x136: {  	[tilespmem:s21], [sflag:$0x2] =	stream.indirect_vreg.gather [hbm4b:s1+s3], $0x80, v3, vm0, $0xb8;
	[tilespmem:$0x19800] =	vst v63  }
0x137: {  	s21 =	simm.s32 $0xB000  }
0x138: {  	[tilespmem:s21], [sflag:$0x2] =	stream.indirect_vreg.gather [hbm4b:s5+s3], $0x80, v3, vm0, $0xb8;
	[tilespmem:$0x19800] =	vst v63  }
0x139: {  	v3 =	vld [tilespmem:s17+$0xF0];
	_ =	sdelay $0x4  }
0x13a: {  	v61 =	vshll.u32 v3, $0x2  }
0x13b: {  	v3 =	vand.u32 $0x7, v3;
	v4 =	vand.u32 $0xFFFFFFE0, v61  }
0x13c: {  	v3 =	vor.u32 v3, v4  }
0x13d: {  	v4 =	vperm.xlane v3, v0;
	_ =	sdelay $0x1  }
0x13e: {  	v4 =	vadd.s32 v1, v4;
	_ =	sdelay $0x1  }
0x13f: {  	v3 =	vperm.xlane v3, v2;
	_ =	sdelay $0x1  }
0x140: {  	s21 =	simm.s32 $0xB800;
	v3 =	vadd.s32 v1, v3  }
0x141: {  	[tilespmem:s21], [sflag:$0x2] =	stream.indirect_vreg.gather [hbm4b:s1+s3], $0x80, v4, vm0, $0xb8;
	[tilespmem:$0x19800] =	vst v63  }
0x142: {  	s21 =	simm.s32 $0xC000  }
0x143: {  	[tilespmem:s21], [sflag:$0x2] =	stream.indirect_vreg.gather [hbm4b:s5+s3], $0x80, v4, vm0, $0xb8;
	[tilespmem:$0x19800] =	vst v63  }
0x144: {  	s21 =	simm.s32 $0xC800  }
0x145: {  	[tilespmem:s21], [sflag:$0x2] =	stream.indirect_vreg.gather [hbm4b:s1+s3], $0x80, v3, vm0, $0xb8;
	[tilespmem:$0x19800] =	vst v63  }
0x146: {  	s21 =	simm.s32 $0xD000  }
0x147: {  	[tilespmem:s21], [sflag:$0x2] =	stream.indirect_vreg.gather [hbm4b:s5+s3], $0x80, v3, vm0, $0xb8;
	[tilespmem:$0x19800] =	vst v63  }
0x148: {  	v3 =	vld [tilespmem:s17+$0x100];
	_ =	sdelay $0x4  }
0x149: {  	v62 =	vshll.u32 v3, $0x2  }
0x14a: {  	v3 =	vand.u32 $0x7, v3;
	v4 =	vand.u32 $0xFFFFFFE0, v62  }
0x14b: {  	v3 =	vor.u32 v3, v4  }
0x14c: {  	v4 =	vperm.xlane v3, v0;
	_ =	sdelay $0x1  }
0x14d: {  	v4 =	vadd.s32 v1, v4;
	_ =	sdelay $0x1  }
0x14e: {  	v3 =	vperm.xlane v3, v2;
	_ =	sdelay $0x1  }
0x14f: {  	s21 =	simm.s32 $0xD800;
	v3 =	vadd.s32 v1, v3  }
0x150: {  	[tilespmem:s21], [sflag:$0x2] =	stream.indirect_vreg.gather [hbm4b:s1+s3], $0x80, v4, vm0, $0xb8;
	[tilespmem:$0x19800] =	vst v63  }
0x151: {  	s21 =	simm.s32 $0xE000  }
0x152: {  	[tilespmem:s21], [sflag:$0x2] =	stream.indirect_vreg.gather [hbm4b:s5+s3], $0x80, v4, vm0, $0xb8;
	[tilespmem:$0x19800] =	vst v63  }
0x153: {  	s21 =	simm.s32 $0xE800  }
0x154: {  	[tilespmem:s21], [sflag:$0x2] =	stream.indirect_vreg.gather [hbm4b:s1+s3], $0x80, v3, vm0, $0xb8;
	[tilespmem:$0x19800] =	vst v63  }
0x155: {  	s21 =	simm.s32 $0xF000  }
0x156: {  	[tilespmem:s21], [sflag:$0x2] =	stream.indirect_vreg.gather [hbm4b:s5+s3], $0x80, v3, vm0, $0xb8;
	[tilespmem:$0x19800] =	vst v63  }
0x157: {  	v3 =	vld [tilespmem:s17+$0x110];
	_ =	sdelay $0x4  }
0x158: {  	v63 =	vshll.u32 v3, $0x2  }
0x159: {  	v3 =	vand.u32 $0x7, v3;
	v4 =	vand.u32 $0xFFFFFFE0, v63  }
0x15a: {  	v3 =	vor.u32 v3, v4  }
0x15b: {  	v4 =	vperm.xlane v3, v0;
	_ =	sdelay $0x1  }
0x15c: {  	v4 =	vadd.s32 v1, v4;
	_ =	sdelay $0x2  }
0x15d: {  	v3 =	vperm.xlane v3, v2  }
0x15e: {  	s21 =	simm.s32 $0xF800  }
0x15f: {  	v3 =	vadd.s32 v1, v3;
	[tilespmem:s21], [sflag:$0x2] =	stream.indirect_vreg.gather [hbm4b:s1+s3], $0x80, v4, vm0, $0xb8;
	[tilespmem:$0x19800] =	vst v63  }
0x160: {  	s21 =	simm.s32 $0x10000  }
0x161: {  	[tilespmem:s21], [sflag:$0x2] =	stream.indirect_vreg.gather [hbm4b:s5+s3], $0x80, v4, vm0, $0xb8;
	[tilespmem:$0x19800] =	vst v63  }
.Ltmp4:
0x162: {  	_ = 	snop;
	(pc) =	sbr.rel .LBB2_2-.Ltmp4, $4  }
0x163: {  	s21 =	simm.s32 $0x10800  }
0x164: {  	[tilespmem:s21], [sflag:$0x2] =	stream.indirect_vreg.gather [hbm4b:s1+s3], $0x80, v3, vm0, $0xb8;
	[tilespmem:$0x19800] =	vst v63  }
0x165: {  	s18 =	sadd.s32 $0x3000, s18;
	s17 =	sadd.s32 $0x180, s17;
	s21 =	simm.s32 $0x11000  }
0x166: {  	[tilespmem:s21], [sflag:$0x2] =	stream.indirect_vreg.gather [hbm4b:s5+s3], $0x80, v3, vm0, $0xb8;
	[tilespmem:$0x19800] =	vst v63  }
.LBB2_7:
0x167: {  	_ =	sfence.sel $0x180000  }
0x168: {  	[bflag:$0x0] =	sbarrier.arrive $0xFFFF  }
0x169: {  	_ =	strace $0x90000047  }
0x16a: {  	s0 =	stileid.u32;
	[bflag:$0x2] =	sbarrier.arrive $0xFFFF  }
0x16b: {  	p0 =	sne.s32 s0, $0x0;
	s0 =	rddreg [dreg:$0x3]  }
0x16c: {  	s0 =	sadd.s32 @!p0 $0x100000, s0  }
0x16d: {  	[sflag:s0] =	ssyncadd.tile.s32 @!p0 $0x1;
	_ =	shalt  }
.Lfunc_end2:
_tile_overlayer_lowered:
.L_overlay_start_2:
0x16e: {  	(tag) =	ssettag $0x2  }
0x16f: {  	s0 =	rddreg [dreg:$0x0];
	s2 =	stileid.u32  }
0x170: {  	s1 =	rddreg [dreg:$0x1];
	p0 =	sne.s32 s2, $0x0  }
0x171: {  	s3 =	rddreg [dreg:$0x2];
	[bflag:$0x3] =	sbarrier.arrive $0xFFFF;
	s2 =	simm.s32 @!p0 $0x1C07  }
0x172: {  	[timem:s3], [sflag:s2] =	dma.local @!p0 [hbm:s0], s1  }
0x173: {  	s0 =	simm.s32 @!p0 $0x7  }
0x174: {  	_ =	swait.ge @!p0 [sflag:s0], s1  }
0x175: {  	s1 =	ssub.s32 @!p0 $0x0, s1;
	[sflag:s0] =	ssyncset.done @!p0 $0x0  }
0x176: {  	[sflag:s0] =	ssyncadd.s32 @!p0 s1  }
0x177: {  	[bflag:$0x3] =	sbarrier.arrive $0xFFFF  }
0x178: {  	_ =	shalt  }

</sc_bundles>
